<compile_context>
chip_gen: v7x
topology: tpu7x:2x2x1
jax: 0.10.2.dev20260603
libtpu: 0.0.44.dev20260713+nightly
codegen_flags: <defaults>
</compile_context>

<pallas_src>
import functools

import jax
import jax.numpy as jnp
from jax import lax
from jax.experimental import pallas as pl
from jax.experimental.pallas import tpu as pltpu
from jax.experimental.pallas import tpu_sc as plsc

N_NODES = 10000
N_EDGES = 320000
FEAT = 128
NUM_RELS = 8
NUM_BASES = 4

NC = 2
NS = 16
NW = NC * NS

K_EDGE = 128
EDGES_PER_TILE = -(-N_EDGES // NW)
CHUNKS_PER_TILE = -(-EDGES_PER_TILE // K_EDGE)
E_PAD = NW * CHUNKS_PER_TILE * K_EDGE

AGG_ROWS = 10112
ROWS_PER_TILE = AGG_ROWS // NS

BN = 400
NB = N_NODES // BN


def _project_kernel(x_ref, wc_ref, w_ref, out_ref):
    r = pl.program_id(1)
    rw = wc_ref[r, 0] * w_ref[0]
    for b in range(1, NUM_BASES):
        rw = rw + wc_ref[r, b] * w_ref[b]
    out_ref[...] = jnp.dot(x_ref[...], rw, preferred_element_type=jnp.float32)


def _mlp_kernel(agg_ref, x_ref, lw_ref, hb_ref, w1_ref, b1_ref, w2_ref, b2_ref,
                out_ref):
    h = agg_ref[0] + agg_ref[1] + hb_ref[...]
    h = h + jnp.dot(x_ref[...], lw_ref[...], preferred_element_type=jnp.float32)
    h = jnp.dot(h, w1_ref[...], preferred_element_type=jnp.float32) + b1_ref[...]
    h = jnp.maximum(h, 0.0)
    h = jnp.dot(h, w2_ref[...], preferred_element_type=jnp.float32) + b2_ref[...]
    out_ref[...] = jnp.maximum(h, 0.0)


def _sc_edge_kernel(ridx_hbm, didx_hbm, hall_hbm, zeros_hbm, out_hbm,
                    ridx_v, didx_v, rows_v, agg_sh, sem):
    c = lax.axis_index("c")
    s = lax.axis_index("s")
    wid = s * NC + c
    row0 = s * ROWS_PER_TILE
    pltpu.sync_copy(zeros_hbm.at[pl.ds(row0, ROWS_PER_TILE)],
                    agg_sh.at[pl.ds(row0, ROWS_PER_TILE)])
    plsc.subcore_barrier()

    def body(j, carry):
        base = (wid * CHUNKS_PER_TILE + j) * K_EDGE
        pltpu.sync_copy(ridx_hbm.at[pl.ds(base, K_EDGE)], ridx_v)
        pltpu.sync_copy(didx_hbm.at[pl.ds(base, K_EDGE)], didx_v)
        pltpu.async_copy(hall_hbm.at[ridx_v], rows_v, sem).wait()
        pltpu.sync_copy(rows_v, agg_sh.at[didx_v], add=True)
        return carry

    lax.fori_loop(0, CHUNKS_PER_TILE, body, 0)
    plsc.subcore_barrier()
    pltpu.sync_copy(agg_sh.at[pl.ds(row0, ROWS_PER_TILE)],
                    out_hbm.at[c, pl.ds(row0, ROWS_PER_TILE)])


_sc_edge = functools.partial(
    pl.kernel,
    out_type=jax.ShapeDtypeStruct((NC, AGG_ROWS, FEAT), jnp.float32),
    mesh=plsc.VectorSubcoreMesh(core_axis_name="c", subcore_axis_name="s"),
    scratch_types=[
        pltpu.VMEM((K_EDGE,), jnp.int32),
        pltpu.VMEM((K_EDGE,), jnp.int32),
        pltpu.VMEM((K_EDGE, FEAT), jnp.float32),
        pltpu.VMEM_SHARED((AGG_ROWS, FEAT), jnp.float32),
        pltpu.SemaphoreType.DMA,
    ],
)(_sc_edge_kernel)


def kernel(x, edge_index, etypes, weight, w_comp, loop_weight, h_bias, W1, b1,
           W2, b2):
    src = edge_index[0].astype(jnp.int32)
    dst = edge_index[1].astype(jnp.int32)
    et = etypes.astype(jnp.int32)

    pad = E_PAD - N_EDGES
    row_idx = jnp.concatenate([et * N_NODES + src,
                               jnp.zeros((pad,), jnp.int32)])
    dst_idx = jnp.concatenate([dst,
                               jnp.full((pad,), N_NODES, jnp.int32)])

    h_all = pl.pallas_call(
        _project_kernel,
        grid=(NB, NUM_RELS),
        in_specs=[
            pl.BlockSpec((BN, FEAT), lambda i, r: (i, 0)),
            pl.BlockSpec(memory_space=pltpu.SMEM),
            pl.BlockSpec((NUM_BASES, FEAT, FEAT), lambda i, r: (0, 0, 0)),
        ],
        out_specs=pl.BlockSpec((BN, FEAT), lambda i, r: (r * NB + i, 0)),
        out_shape=jax.ShapeDtypeStruct((NUM_RELS * N_NODES, FEAT), jnp.float32),
    )(x, w_comp, weight)

    zeros = jnp.zeros((AGG_ROWS, FEAT), jnp.float32)
    agg_parts = _sc_edge(row_idx, dst_idx, h_all, zeros)

    out = pl.pallas_call(
        _mlp_kernel,
        grid=(NB,),
        in_specs=[
            pl.BlockSpec((NC, BN, FEAT), lambda i: (0, i, 0)),
            pl.BlockSpec((BN, FEAT), lambda i: (i, 0)),
            pl.BlockSpec((FEAT, FEAT), lambda i: (0, 0)),
            pl.BlockSpec((1, FEAT), lambda i: (0, 0)),
            pl.BlockSpec((FEAT, FEAT), lambda i: (0, 0)),
            pl.BlockSpec((1, FEAT), lambda i: (0, 0)),
            pl.BlockSpec((FEAT, FEAT), lambda i: (0, 0)),
            pl.BlockSpec((1, FEAT), lambda i: (0, 0)),
        ],
        out_specs=pl.BlockSpec((BN, FEAT), lambda i: (i, 0)),
        out_shape=jax.ShapeDtypeStruct((N_NODES, FEAT), jnp.float32),
    )(agg_parts, x, loop_weight, h_bias.reshape(1, FEAT), W1,
      b1.reshape(1, FEAT), W2, b2.reshape(1, FEAT))
    return out

# --- scband reference (transcript-rebuilt; emitter-appended) ---
"""Pipeline reference for scband-rginlayer-8083128451272 (READ-ONLY COPY).

The authoritative reference and input builder live on the scoring server;
editing this copy changes nothing except your own understanding.
"""

import jax, jax.numpy as jnp
import numpy as np

N_NODES = 10000
N_EDGES = 320000
IN_FEAT = 128
OUT_FEAT = 128
NUM_RELS = 8
NUM_BASES = 4


def setup_inputs(seed: int = 0) -> dict:
    key = jax.random.key(seed)
    ks = jax.random.split(key, 12)
    std = 1.0 / (OUT_FEAT ** 0.5)
    x = jax.random.normal(ks[0], (N_NODES, IN_FEAT), dtype=jnp.float32)
    edge_index = jax.random.randint(ks[1], (2, N_EDGES), 0, N_NODES, dtype=jnp.int64) if jax.config.jax_enable_x64 else jax.random.randint(ks[1], (2, N_EDGES), 0, N_NODES).astype(jnp.int32)
    etypes = jax.random.randint(ks[2], (N_EDGES,), 0, NUM_RELS).astype(edge_index.dtype)
    # RelGraphConv basis-decomposition parameters
    weight = std * jax.random.normal(ks[3], (NUM_BASES, IN_FEAT, OUT_FEAT), dtype=jnp.float32)
    w_comp = std * jax.random.normal(ks[4], (NUM_RELS, NUM_BASES), dtype=jnp.float32)
    loop_weight = std * jax.random.normal(ks[5], (IN_FEAT, OUT_FEAT), dtype=jnp.float32)
    h_bias = jnp.zeros((OUT_FEAT,), dtype=jnp.float32)
    # MLP parameters (Linear -> ReLU -> Linear -> ReLU)
    W1 = std * jax.random.normal(ks[6], (OUT_FEAT, OUT_FEAT), dtype=jnp.float32)
    b1 = jnp.zeros((OUT_FEAT,), dtype=jnp.float32)
    W2 = std * jax.random.normal(ks[7], (OUT_FEAT, OUT_FEAT), dtype=jnp.float32)
    b2 = jnp.zeros((OUT_FEAT,), dtype=jnp.float32)
    return {"x": x, "edge_index": edge_index, "etypes": etypes,
            "weight": weight, "w_comp": w_comp, "loop_weight": loop_weight,
            "h_bias": h_bias, "W1": W1, "b1": b1, "W2": W2, "b2": b2}


def reference(x, edge_index, etypes, weight, w_comp, loop_weight, h_bias, W1, b1, W2, b2):
    # RelGraphConv (basis regularizer, self_loop=True, norm=None, activation=None)
    src = edge_index[0]
    dst = edge_index[1]
    N = x.shape[0]
    # Compose per-relation weights from bases: [R, in, out]
    rel_w = jnp.einsum('rb,bio->rio', w_comp, weight)
    # Low-memory equivalent of per-edge bmm: project x through every relation,
    # then gather per (src, etype). Mathematically identical to DGL's message fn.
    h_all = jnp.einsum('ni,rio->nro', x, rel_w)  # [N, R, out]
    msg = h_all[src, etypes]                      # [E, out] gather
    agg = jax.ops.segment_sum(msg, dst, num_segments=N)  # sum aggregation at dst
    # self-loop + bias
    h = agg + x @ loop_weight + h_bias
    # MLP: Linear -> ReLU -> Linear -> ReLU (dropout p=0.0 is identity)
    h = jax.nn.relu(h @ W1 + b1)
    h = jax.nn.relu(h @ W2 + b2)
    return h

if __name__ == "__main__":
    import jax
    _d = setup_inputs()
    print(jax.jit(kernel)(*tuple(_d.values())))

</pallas_src>

<mosaic_0001>
#map = affine_map<(d0, d1) -> (0)>
#map1 = affine_map<(d0, d1) -> (0, 0)>
#map2 = affine_map<(d0, d1) -> (0, 0, 0)>
module attributes {stable_mosaic.version = 14 : i64} {
  func.func @_sc_edge_kernel(%arg0: i32, %arg1: i32, %arg2: memref<323584xi32, #tpu.memory_space<hbm>>, %arg3: memref<323584xi32, #tpu.memory_space<hbm>>, %arg4: memref<80000x128xf32, #tpu.memory_space<hbm>>, %arg5: memref<10112x128xf32, #tpu.memory_space<hbm>>, %arg6: memref<2x10112x128xf32, #tpu.memory_space<hbm>>, %arg7: memref<128xi32, #tpu.memory_space<vmem>>, %arg8: memref<128xi32, #tpu.memory_space<vmem>>, %arg9: memref<128x128xf32, #tpu.memory_space<vmem>>, %arg10: memref<10112x128xf32, #tpu.memory_space<vmem_shared>>, %arg11: memref<!tpu.dma_semaphore, #tpu.memory_space<semaphore_mem>>) attributes {dimension_semantics = [#tpu.dimension_semantics<core_parallel>, #tpu.dimension_semantics<subcore_parallel>], iteration_bounds = array<i64: 2, 16>, scalar_prefetch = 0 : i64, scratch_operands = 5 : i64, tpu.core_type = #tpu.core_type<sc_vector_subcore>, window_params = [{transform_indices = #map}, {transform_indices = #map}, {transform_indices = #map1}, {transform_indices = #map1}, {transform_indices = #map2}]} {
    %mul3A = arith.constant 2 : i32
    %mul3A_0 = arith.muli %arg1, %mul3A : i32
    %add3A = arith.addi %mul3A_0, %arg0 : i32
    %mul3A_1 = arith.constant 632 : i32
    %mul3A_2 = arith.muli %arg1, %mul3A_1 : i32
    "tpu.region"() ({
      %run_scoped3A = tpu.sem_alloc : memref<!tpu.dma_semaphore, #tpu.memory_space<semaphore_mem>>
      %dma_start3A = arith.constant 0 : i32
      %dma_start3A_9 = tpu.memref_slice %arg10[%mul3A_2, %dma_start3A] : memref<10112x128xf32, #tpu.memory_space<vmem_shared>> -> memref<632x128xf32, #tpu.memory_space<vmem_shared>>
      %dma_start3A_10 = arith.constant 0 : i32
      %dma_start3A_11 = tpu.memref_slice %arg5[%mul3A_2, %dma_start3A_10] : memref<10112x128xf32, #tpu.memory_space<hbm>> -> memref<632x128xf32, #tpu.memory_space<hbm>>
      tpu.enqueue_dma source(%dma_start3A_11 : memref<632x128xf32, #tpu.memory_space<hbm>>) target(%dma_start3A_9 : memref<632x128xf32, #tpu.memory_space<vmem_shared>>) target_semaphore(%run_scoped3A : memref<!tpu.dma_semaphore, #tpu.memory_space<semaphore_mem>>)
      %dma_wait3A = arith.constant 0 : i32
      %dma_wait3A_12 = tpu.memref_slice %arg10[%mul3A_2, %dma_wait3A] : memref<10112x128xf32, #tpu.memory_space<vmem_shared>> -> memref<632x128xf32, #tpu.memory_space<vmem_shared>>
      %dma_wait3A_13 = arith.constant 0 : i32
      %dma_wait3A_14 = tpu.memref_slice %arg5[%mul3A_2, %dma_wait3A_13] : memref<10112x128xf32, #tpu.memory_space<hbm>> -> memref<632x128xf32, #tpu.memory_space<hbm>>
      tpu.wait_dma2 semaphore(%run_scoped3A : memref<!tpu.dma_semaphore, #tpu.memory_space<semaphore_mem>>) src(%dma_wait3A_14 : memref<632x128xf32, #tpu.memory_space<hbm>>) dst(%dma_wait3A_12 : memref<632x128xf32, #tpu.memory_space<vmem_shared>>)
      tpu.yield
    }) : () -> ()
    %barrier3A = arith.constant 0 : index
    tpu.barrier barrier_id(%barrier3A)
    %scan3A = arith.constant 0 : i32
    %scan3A_3 = arith.constant 0 : i32
    %scan3A_4 = arith.constant 79 : i32
    %scan3A_5 = arith.addi %scan3A_3, %scan3A_4 : i32
    %scan3A_6 = arith.constant 1 : i32
    scf.for %scan3A_9 = %scan3A_3 to %scan3A_5 step %scan3A_6  : i32 {
      %mul3A_10 = arith.constant 79 : i32
      %mul3A_11 = arith.muli %add3A, %mul3A_10 : i32
      %add3A_12 = arith.addi %mul3A_11, %scan3A_9 : i32
      %mul3A_13 = arith.constant 128 : i32
      %mul3A_14 = arith.muli %add3A_12, %mul3A_13 : i32
      "tpu.region"() ({
        %run_scoped3A = tpu.sem_alloc : memref<!tpu.dma_semaphore, #tpu.memory_space<semaphore_mem>>
        %dma_start3A_19 = tpu.memref_slice %arg2[%mul3A_14] : memref<323584xi32, #tpu.memory_space<hbm>> -> memref<128xi32, #tpu.memory_space<hbm>>
        %dma_start3A_20 = tpu.memref_slice %arg2[%mul3A_14] : memref<323584xi32, #tpu.memory_space<hbm>> -> memref<128xi32, #tpu.memory_space<hbm>>
        tpu.enqueue_dma source(%dma_start3A_20 : memref<128xi32, #tpu.memory_space<hbm>>) target(%arg7 : memref<128xi32, #tpu.memory_space<vmem>>) target_semaphore(%run_scoped3A : memref<!tpu.dma_semaphore, #tpu.memory_space<semaphore_mem>>)
        %dma_wait3A_21 = tpu.memref_slice %arg2[%mul3A_14] : memref<323584xi32, #tpu.memory_space<hbm>> -> memref<128xi32, #tpu.memory_space<hbm>>
        %dma_wait3A_22 = tpu.memref_slice %arg2[%mul3A_14] : memref<323584xi32, #tpu.memory_space<hbm>> -> memref<128xi32, #tpu.memory_space<hbm>>
        tpu.wait_dma2 semaphore(%run_scoped3A : memref<!tpu.dma_semaphore, #tpu.memory_space<semaphore_mem>>) src(%dma_wait3A_22 : memref<128xi32, #tpu.memory_space<hbm>>) dst(%arg7 : memref<128xi32, #tpu.memory_space<vmem>>)
        tpu.yield
      }) : () -> ()
      "tpu.region"() ({
        %run_scoped3A = tpu.sem_alloc : memref<!tpu.dma_semaphore, #tpu.memory_space<semaphore_mem>>
        %dma_start3A_19 = tpu.memref_slice %arg3[%mul3A_14] : memref<323584xi32, #tpu.memory_space<hbm>> -> memref<128xi32, #tpu.memory_space<hbm>>
        %dma_start3A_20 = tpu.memref_slice %arg3[%mul3A_14] : memref<323584xi32, #tpu.memory_space<hbm>> -> memref<128xi32, #tpu.memory_space<hbm>>
        tpu.enqueue_dma source(%dma_start3A_20 : memref<128xi32, #tpu.memory_space<hbm>>) target(%arg8 : memref<128xi32, #tpu.memory_space<vmem>>) target_semaphore(%run_scoped3A : memref<!tpu.dma_semaphore, #tpu.memory_space<semaphore_mem>>)
        %dma_wait3A_21 = tpu.memref_slice %arg3[%mul3A_14] : memref<323584xi32, #tpu.memory_space<hbm>> -> memref<128xi32, #tpu.memory_space<hbm>>
        %dma_wait3A_22 = tpu.memref_slice %arg3[%mul3A_14] : memref<323584xi32, #tpu.memory_space<hbm>> -> memref<128xi32, #tpu.memory_space<hbm>>
        tpu.wait_dma2 semaphore(%run_scoped3A : memref<!tpu.dma_semaphore, #tpu.memory_space<semaphore_mem>>) src(%dma_wait3A_22 : memref<128xi32, #tpu.memory_space<hbm>>) dst(%arg8 : memref<128xi32, #tpu.memory_space<vmem>>)
        tpu.yield
      }) : () -> ()
      %dma_start3A = arith.constant 0 : i32
      %dma_start3A_15 = arith.constant 0 : i32
      %dma_start3A_16 = tpu.memref_slice %arg4[%dma_start3A, %dma_start3A_15] : memref<80000x128xf32, #tpu.memory_space<hbm>> -> memref<80000x128xf32, #tpu.memory_space<hbm>>
      tpu.enqueue_indirect_dma source(%dma_start3A_16 : memref<80000x128xf32, #tpu.memory_space<hbm>>) target(%arg9 : memref<128x128xf32, #tpu.memory_space<vmem>>) offsets(%arg7 : memref<128xi32, #tpu.memory_space<vmem>>) semaphore(%arg11 : memref<!tpu.dma_semaphore, #tpu.memory_space<semaphore_mem>>)
      %dma_wait3A = arith.constant 0 : i32
      %dma_wait3A_17 = arith.constant 0 : i32
      %dma_wait3A_18 = tpu.memref_slice %arg4[%dma_wait3A, %dma_wait3A_17] : memref<80000x128xf32, #tpu.memory_space<hbm>> -> memref<80000x128xf32, #tpu.memory_space<hbm>>
      tpu.wait_indirect_dma semaphore(%arg11 : memref<!tpu.dma_semaphore, #tpu.memory_space<semaphore_mem>>) src(%dma_wait3A_18 : memref<80000x128xf32, #tpu.memory_space<hbm>>) dst(%arg9 : memref<128x128xf32, #tpu.memory_space<vmem>>)
      "tpu.region"() ({
        %run_scoped3A = tpu.sem_alloc : memref<!tpu.dma_semaphore, #tpu.memory_space<semaphore_mem>>
        %dma_start3A_19 = arith.constant 0 : i32
        %dma_start3A_20 = arith.constant 0 : i32
        %dma_start3A_21 = tpu.memref_slice %arg10[%dma_start3A_19, %dma_start3A_20] : memref<10112x128xf32, #tpu.memory_space<vmem_shared>> -> memref<10112x128xf32, #tpu.memory_space<vmem_shared>>
        tpu.enqueue_indirect_dma source(%arg9 : memref<128x128xf32, #tpu.memory_space<vmem>>) target(%dma_start3A_21 : memref<10112x128xf32, #tpu.memory_space<vmem_shared>>) offsets(%arg8 : memref<128xi32, #tpu.memory_space<vmem>>) semaphore(%run_scoped3A : memref<!tpu.dma_semaphore, #tpu.memory_space<semaphore_mem>>) {add = true}
        %dma_wait3A_22 = arith.constant 0 : i32
        %dma_wait3A_23 = arith.constant 0 : i32
        %dma_wait3A_24 = tpu.memref_slice %arg10[%dma_wait3A_22, %dma_wait3A_23] : memref<10112x128xf32, #tpu.memory_space<vmem_shared>> -> memref<10112x128xf32, #tpu.memory_space<vmem_shared>>
        tpu.wait_indirect_dma semaphore(%run_scoped3A : memref<!tpu.dma_semaphore, #tpu.memory_space<semaphore_mem>>) src(%arg9 : memref<128x128xf32, #tpu.memory_space<vmem>>) dst(%dma_wait3A_24 : memref<10112x128xf32, #tpu.memory_space<vmem_shared>>)
        tpu.yield
      }) : () -> ()
    }
    %scan3A_7 = arith.constant 79 : i32
    %barrier3A_8 = arith.constant 0 : index
    tpu.barrier barrier_id(%barrier3A_8)
    "tpu.region"() ({
      %run_scoped3A = tpu.sem_alloc : memref<!tpu.dma_semaphore, #tpu.memory_space<semaphore_mem>>
      %dma_start3A = arith.constant 0 : i32
      %dma_start3A_9 = tpu.memref_slice %arg6[%arg0, %mul3A_2, %dma_start3A] : memref<2x10112x128xf32, #tpu.memory_space<hbm>> -> memref<1x632x128xf32, #tpu.memory_space<hbm>>
      %dma_start3A_10 = tpu.memref_squeeze %dma_start3A_9 : memref<1x632x128xf32, #tpu.memory_space<hbm>> -> memref<632x128xf32, #tpu.memory_space<hbm>>
      %dma_start3A_11 = arith.constant 0 : i32
      %dma_start3A_12 = tpu.memref_slice %arg10[%mul3A_2, %dma_start3A_11] : memref<10112x128xf32, #tpu.memory_space<vmem_shared>> -> memref<632x128xf32, #tpu.memory_space<vmem_shared>>
      tpu.enqueue_dma source(%dma_start3A_12 : memref<632x128xf32, #tpu.memory_space<vmem_shared>>) target(%dma_start3A_10 : memref<632x128xf32, #tpu.memory_space<hbm>>) target_semaphore(%run_scoped3A : memref<!tpu.dma_semaphore, #tpu.memory_space<semaphore_mem>>)
      %dma_wait3A = arith.constant 0 : i32
      %dma_wait3A_13 = tpu.memref_slice %arg6[%arg0, %mul3A_2, %dma_wait3A] : memref<2x10112x128xf32, #tpu.memory_space<hbm>> -> memref<1x632x128xf32, #tpu.memory_space<hbm>>
      %dma_wait3A_14 = tpu.memref_squeeze %dma_wait3A_13 : memref<1x632x128xf32, #tpu.memory_space<hbm>> -> memref<632x128xf32, #tpu.memory_space<hbm>>
      %dma_wait3A_15 = arith.constant 0 : i32
      %dma_wait3A_16 = tpu.memref_slice %arg10[%mul3A_2, %dma_wait3A_15] : memref<10112x128xf32, #tpu.memory_space<vmem_shared>> -> memref<632x128xf32, #tpu.memory_space<vmem_shared>>
      tpu.wait_dma2 semaphore(%run_scoped3A : memref<!tpu.dma_semaphore, #tpu.memory_space<semaphore_mem>>) src(%dma_wait3A_16 : memref<632x128xf32, #tpu.memory_space<vmem_shared>>) dst(%dma_wait3A_14 : memref<632x128xf32, #tpu.memory_space<hbm>>)
      tpu.yield
    }) : () -> ()
    return
  }
}

module attributes {stable_mosaic.version = 14 : i64} {
  func.func @_project_kernel(%arg0: i32, %arg1: i32, %arg2: memref<400x128xf32, #tpu.memory_space<vmem>>, %arg3: memref<8x4xf32, #tpu.memory_space<smem>>, %arg4: memref<4x128x128xf32, #tpu.memory_space<vmem>>, %arg5: memref<400x128xf32, #tpu.memory_space<vmem>>) attributes {dimension_semantics = [#tpu.dimension_semantics<arbitrary>, #tpu.dimension_semantics<arbitrary>], iteration_bounds = array<i64: 25, 8>, scalar_prefetch = 0 : i64, scratch_operands = 0 : i64, tpu.core_type = #tpu.core_type<tc>, window_params = [{transform_indices = @transform_0, window_bounds = array<i64: 400, 128>}, {transform_indices = @transform_1, window_bounds = array<i64: 8, 4>}, {pipeline_mode = #tpu.pipeline_mode<synchronous>, transform_indices = @transform_2, window_bounds = array<i64: 4, 128, 128>}, {transform_indices = @transform_3, window_bounds = array<i64: 400, 128>}]} {
    %get3A = arith.index_cast %arg1 : i32 to index
    %get3A_0 = arith.constant 0 : index
    %get3A_1 = memref.load %arg3[%get3A, %get3A_0] : memref<8x4xf32, #tpu.memory_space<smem>>
    %get3A_2 = arith.constant 0 : index
    %get3A_3 = arith.constant 0 : index
    %get3A_4 = arith.constant 0 : index
    %get3A_5 = vector.load %arg4[%get3A_2, %get3A_3, %get3A_4] : memref<4x128x128xf32, #tpu.memory_space<vmem>>, vector<1x128x128xf32>
    %get3A_6 = vector.shape_cast %get3A_5 : vector<1x128x128xf32> to vector<128x128xf32>
    %mul3A = vector.broadcast %get3A_1 : f32 to vector<128x128xf32>
    %mul3A_7 = arith.mulf %mul3A, %get3A_6 : vector<128x128xf32>
    %get3A_8 = arith.index_cast %arg1 : i32 to index
    %get3A_9 = arith.constant 1 : index
    %get3A_10 = memref.load %arg3[%get3A_8, %get3A_9] : memref<8x4xf32, #tpu.memory_space<smem>>
    %get3A_11 = arith.constant 1 : index
    %get3A_12 = arith.constant 0 : index
    %get3A_13 = arith.constant 0 : index
    %get3A_14 = vector.load %arg4[%get3A_11, %get3A_12, %get3A_13] : memref<4x128x128xf32, #tpu.memory_space<vmem>>, vector<1x128x128xf32>
    %get3A_15 = vector.shape_cast %get3A_14 : vector<1x128x128xf32> to vector<128x128xf32>
    %mul3A_16 = vector.broadcast %get3A_10 : f32 to vector<128x128xf32>
    %mul3A_17 = arith.mulf %mul3A_16, %get3A_15 : vector<128x128xf32>
    %add3A = arith.addf %mul3A_7, %mul3A_17 : vector<128x128xf32>
    %get3A_18 = arith.index_cast %arg1 : i32 to index
    %get3A_19 = arith.constant 2 : index
    %get3A_20 = memref.load %arg3[%get3A_18, %get3A_19] : memref<8x4xf32, #tpu.memory_space<smem>>
    %get3A_21 = arith.constant 2 : index
    %get3A_22 = arith.constant 0 : index
    %get3A_23 = arith.constant 0 : index
    %get3A_24 = vector.load %arg4[%get3A_21, %get3A_22, %get3A_23] : memref<4x128x128xf32, #tpu.memory_space<vmem>>, vector<1x128x128xf32>
    %get3A_25 = vector.shape_cast %get3A_24 : vector<1x128x128xf32> to vector<128x128xf32>
    %mul3A_26 = vector.broadcast %get3A_20 : f32 to vector<128x128xf32>
    %mul3A_27 = arith.mulf %mul3A_26, %get3A_25 : vector<128x128xf32>
    %add3A_28 = arith.addf %add3A, %mul3A_27 : vector<128x128xf32>
    %get3A_29 = arith.index_cast %arg1 : i32 to index
    %get3A_30 = arith.constant 3 : index
    %get3A_31 = memref.load %arg3[%get3A_29, %get3A_30] : memref<8x4xf32, #tpu.memory_space<smem>>
    %get3A_32 = arith.constant 3 : index
    %get3A_33 = arith.constant 0 : index
    %get3A_34 = arith.constant 0 : index
    %get3A_35 = vector.load %arg4[%get3A_32, %get3A_33, %get3A_34] : memref<4x128x128xf32, #tpu.memory_space<vmem>>, vector<1x128x128xf32>
    %get3A_36 = vector.shape_cast %get3A_35 : vector<1x128x128xf32> to vector<128x128xf32>
    %mul3A_37 = vector.broadcast %get3A_31 : f32 to vector<128x128xf32>
    %mul3A_38 = arith.mulf %mul3A_37, %get3A_36 : vector<128x128xf32>
    %add3A_39 = arith.addf %add3A_28, %mul3A_38 : vector<128x128xf32>
    %get3A_40 = arith.constant 0 : index
    %get3A_41 = arith.constant 0 : index
    %get3A_42 = vector.load %arg2[%get3A_40, %get3A_41] : memref<400x128xf32, #tpu.memory_space<vmem>>, vector<400x128xf32>
    %dot_general3A = arith.constant dense<0.000000e+00> : vector<400x128xf32>
    %dot_general3A_43 = tpu.matmul %get3A_42, %add3A_39, %dot_general3A {dimension_numbers = #tpu.dot_dimension_numbers<[1], [0], [0], [1], [0, 0, 1, 1], [], []>, transpose_lhs_hint = false} : vector<400x128xf32>, vector<128x128xf32>, vector<400x128xf32> -> vector<400x128xf32>
    %swap3A = arith.constant 0 : index
    %swap3A_44 = arith.constant 0 : index
    %swap3A_45 = vector.load %arg5[%swap3A, %swap3A_44] : memref<400x128xf32, #tpu.memory_space<vmem>>, vector<400x128xf32>
    tpu.vector_store %arg5[%swap3A, %swap3A_44], %dot_general3A_43 {strides = array<i32>} : memref<400x128xf32, #tpu.memory_space<vmem>>, vector<400x128xf32>,
    return
  }
  func.func @transform_0(%arg0: i32, %arg1: i32) -> (i32, i32) {
    %c0_i32 = arith.constant 0 : i32
    %c0_i32_0 = arith.constant 0 : i32
    return %arg0, %c0_i32 : i32, i32
  }
  func.func @transform_1(%arg0: i32, %arg1: i32) -> (i32, i32) {
    %c0_i32 = arith.constant 0 : i32
    %c0_i32_0 = arith.constant 0 : i32
    %c0_i32_1 = arith.constant 0 : i32
    return %c0_i32, %c0_i32_0 : i32, i32
  }
  func.func @transform_2(%arg0: i32, %arg1: i32) -> (i32, i32, i32) {
    %c0_i32 = arith.constant 0 : i32
    %c0_i32_0 = arith.constant 0 : i32
    %c0_i32_1 = arith.constant 0 : i32
    %c0_i32_2 = arith.constant 0 : i32
    return %c0_i32, %c0_i32_0, %c0_i32_1 : i32, i32, i32
  }
  func.func @transform_3(%arg0: i32, %arg1: i32) -> (i32, i32) {
    %mul3A = arith.constant 25 : i32
    %mul3A_0 = arith.muli %arg1, %mul3A : i32
    %add3A = arith.addi %mul3A_0, %arg0 : i32
    %c0_i32 = arith.constant 0 : i32
    %c0_i32_1 = arith.constant 0 : i32
    return %add3A, %c0_i32 : i32, i32
  }
}

module attributes {stable_mosaic.version = 14 : i64} {
  func.func @_mlp_kernel(%arg0: i32, %arg1: memref<2x400x128xf32, #tpu.memory_space<vmem>>, %arg2: memref<400x128xf32, #tpu.memory_space<vmem>>, %arg3: memref<128x128xf32, #tpu.memory_space<vmem>>, %arg4: memref<1x128xf32, #tpu.memory_space<vmem>>, %arg5: memref<128x128xf32, #tpu.memory_space<vmem>>, %arg6: memref<1x128xf32, #tpu.memory_space<vmem>>, %arg7: memref<128x128xf32, #tpu.memory_space<vmem>>, %arg8: memref<1x128xf32, #tpu.memory_space<vmem>>, %arg9: memref<400x128xf32, #tpu.memory_space<vmem>>) attributes {dimension_semantics = [#tpu.dimension_semantics<arbitrary>], iteration_bounds = array<i64: 25>, scalar_prefetch = 0 : i64, scratch_operands = 0 : i64, tpu.core_type = #tpu.core_type<tc>, window_params = [{transform_indices = @transform_0, window_bounds = array<i64: 2, 400, 128>}, {transform_indices = @transform_1, window_bounds = array<i64: 400, 128>}, {pipeline_mode = #tpu.pipeline_mode<synchronous>, transform_indices = @transform_2, window_bounds = array<i64: 128, 128>}, {pipeline_mode = #tpu.pipeline_mode<synchronous>, transform_indices = @transform_3, window_bounds = array<i64: 1, 128>}, {pipeline_mode = #tpu.pipeline_mode<synchronous>, transform_indices = @transform_4, window_bounds = array<i64: 128, 128>}, {pipeline_mode = #tpu.pipeline_mode<synchronous>, transform_indices = @transform_5, window_bounds = array<i64: 1, 128>}, {pipeline_mode = #tpu.pipeline_mode<synchronous>, transform_indices = @transform_6, window_bounds = array<i64: 128, 128>}, {pipeline_mode = #tpu.pipeline_mode<synchronous>, transform_indices = @transform_7, window_bounds = array<i64: 1, 128>}, {transform_indices = @transform_8, window_bounds = array<i64: 400, 128>}]} {
    %get3A = arith.constant 0 : index
    %get3A_0 = arith.constant 0 : index
    %get3A_1 = arith.constant 0 : index
    %get3A_2 = vector.load %arg1[%get3A, %get3A_0, %get3A_1] : memref<2x400x128xf32, #tpu.memory_space<vmem>>, vector<1x400x128xf32>
    %get3A_3 = vector.shape_cast %get3A_2 : vector<1x400x128xf32> to vector<400x128xf32>
    %get3A_4 = arith.constant 1 : index
    %get3A_5 = arith.constant 0 : index
    %get3A_6 = arith.constant 0 : index
    %get3A_7 = vector.load %arg1[%get3A_4, %get3A_5, %get3A_6] : memref<2x400x128xf32, #tpu.memory_space<vmem>>, vector<1x400x128xf32>
    %get3A_8 = vector.shape_cast %get3A_7 : vector<1x400x128xf32> to vector<400x128xf32>
    %add3A = arith.addf %get3A_3, %get3A_8 : vector<400x128xf32>
    %get3A_9 = arith.constant 0 : index
    %get3A_10 = arith.constant 0 : index
    %get3A_11 = vector.load %arg4[%get3A_9, %get3A_10] : memref<1x128xf32, #tpu.memory_space<vmem>>, vector<1x128xf32>
    %add3A_12 = vector.broadcast %get3A_11 : vector<1x128xf32> to vector<400x128xf32>
    %add3A_13 = arith.addf %add3A, %add3A_12 : vector<400x128xf32>
    %get3A_14 = arith.constant 0 : index
    %get3A_15 = arith.constant 0 : index
    %get3A_16 = vector.load %arg2[%get3A_14, %get3A_15] : memref<400x128xf32, #tpu.memory_space<vmem>>, vector<400x128xf32>
    %get3A_17 = arith.constant 0 : index
    %get3A_18 = arith.constant 0 : index
    %get3A_19 = vector.load %arg3[%get3A_17, %get3A_18] : memref<128x128xf32, #tpu.memory_space<vmem>>, vector<128x128xf32>
    %dot_general3A = arith.constant dense<0.000000e+00> : vector<400x128xf32>
    %dot_general3A_20 = tpu.matmul %get3A_16, %get3A_19, %dot_general3A {dimension_numbers = #tpu.dot_dimension_numbers<[1], [0], [0], [1], [0, 0, 1, 1], [], []>, transpose_lhs_hint = false} : vector<400x128xf32>, vector<128x128xf32>, vector<400x128xf32> -> vector<400x128xf32>
    %add3A_21 = arith.addf %add3A_13, %dot_general3A_20 : vector<400x128xf32>
    %get3A_22 = arith.constant 0 : index
    %get3A_23 = arith.constant 0 : index
    %get3A_24 = vector.load %arg5[%get3A_22, %get3A_23] : memref<128x128xf32, #tpu.memory_space<vmem>>, vector<128x128xf32>
    %dot_general3A_25 = arith.constant dense<0.000000e+00> : vector<400x128xf32>
    %dot_general3A_26 = tpu.matmul %add3A_21, %get3A_24, %dot_general3A_25 {dimension_numbers = #tpu.dot_dimension_numbers<[1], [0], [0], [1], [0, 0, 1, 1], [], []>, transpose_lhs_hint = false} : vector<400x128xf32>, vector<128x128xf32>, vector<400x128xf32> -> vector<400x128xf32>
    %get3A_27 = arith.constant 0 : index
    %get3A_28 = arith.constant 0 : index
    %get3A_29 = vector.load %arg6[%get3A_27, %get3A_28] : memref<1x128xf32, #tpu.memory_space<vmem>>, vector<1x128xf32>
    %add3A_30 = vector.broadcast %get3A_29 : vector<1x128xf32> to vector<400x128xf32>
    %add3A_31 = arith.addf %dot_general3A_26, %add3A_30 : vector<400x128xf32>
    %max3A = arith.constant 0.000000e+00 : f32
    %max3A_32 = vector.broadcast %max3A : f32 to vector<400x128xf32>
    %max3A_33 = arith.maximumf %add3A_31, %max3A_32 : vector<400x128xf32>
    %get3A_34 = arith.constant 0 : index
    %get3A_35 = arith.constant 0 : index
    %get3A_36 = vector.load %arg7[%get3A_34, %get3A_35] : memref<128x128xf32, #tpu.memory_space<vmem>>, vector<128x128xf32>
    %dot_general3A_37 = arith.constant dense<0.000000e+00> : vector<400x128xf32>
    %dot_general3A_38 = tpu.matmul %max3A_33, %get3A_36, %dot_general3A_37 {dimension_numbers = #tpu.dot_dimension_numbers<[1], [0], [0], [1], [0, 0, 1, 1], [], []>, transpose_lhs_hint = false} : vector<400x128xf32>, vector<128x128xf32>, vector<400x128xf32> -> vector<400x128xf32>
    %get3A_39 = arith.constant 0 : index
    %get3A_40 = arith.constant 0 : index
    %get3A_41 = vector.load %arg8[%get3A_39, %get3A_40] : memref<1x128xf32, #tpu.memory_space<vmem>>, vector<1x128xf32>
    %add3A_42 = vector.broadcast %get3A_41 : vector<1x128xf32> to vector<400x128xf32>
    %add3A_43 = arith.addf %dot_general3A_38, %add3A_42 : vector<400x128xf32>
    %max3A_44 = arith.constant 0.000000e+00 : f32
    %max3A_45 = vector.broadcast %max3A_44 : f32 to vector<400x128xf32>
    %max3A_46 = arith.maximumf %add3A_43, %max3A_45 : vector<400x128xf32>
    %swap3A = arith.constant 0 : index
    %swap3A_47 = arith.constant 0 : index
    %swap3A_48 = vector.load %arg9[%swap3A, %swap3A_47] : memref<400x128xf32, #tpu.memory_space<vmem>>, vector<400x128xf32>
    tpu.vector_store %arg9[%swap3A, %swap3A_47], %max3A_46 {strides = array<i32>} : memref<400x128xf32, #tpu.memory_space<vmem>>, vector<400x128xf32>,
    return
  }
  func.func @transform_0(%arg0: i32) -> (i32, i32, i32) {
    %c0_i32 = arith.constant 0 : i32
    %c0_i32_0 = arith.constant 0 : i32
    %c0_i32_1 = arith.constant 0 : i32
    return %c0_i32, %arg0, %c0_i32_0 : i32, i32, i32
  }
  func.func @transform_1(%arg0: i32) -> (i32, i32) {
    %c0_i32 = arith.constant 0 : i32
    %c0_i32_0 = arith.constant 0 : i32
    return %arg0, %c0_i32 : i32, i32
  }
  func.func @transform_2(%arg0: i32) -> (i32, i32) {
    %c0_i32 = arith.constant 0 : i32
    %c0_i32_0 = arith.constant 0 : i32
    %c0_i32_1 = arith.constant 0 : i32
    return %c0_i32, %c0_i32_0 : i32, i32
  }
  func.func @transform_3(%arg0: i32) -> (i32, i32) {
    %c0_i32 = arith.constant 0 : i32
    %c0_i32_0 = arith.constant 0 : i32
    %c0_i32_1 = arith.constant 0 : i32
    return %c0_i32, %c0_i32_0 : i32, i32
  }
  func.func @transform_4(%arg0: i32) -> (i32, i32) {
    %c0_i32 = arith.constant 0 : i32
    %c0_i32_0 = arith.constant 0 : i32
    %c0_i32_1 = arith.constant 0 : i32
    return %c0_i32, %c0_i32_0 : i32, i32
  }
  func.func @transform_5(%arg0: i32) -> (i32, i32) {
    %c0_i32 = arith.constant 0 : i32
    %c0_i32_0 = arith.constant 0 : i32
    %c0_i32_1 = arith.constant 0 : i32
    return %c0_i32, %c0_i32_0 : i32, i32
  }
  func.func @transform_6(%arg0: i32) -> (i32, i32) {
    %c0_i32 = arith.constant 0 : i32
    %c0_i32_0 = arith.constant 0 : i32
    %c0_i32_1 = arith.constant 0 : i32
    return %c0_i32, %c0_i32_0 : i32, i32
  }
  func.func @transform_7(%arg0: i32) -> (i32, i32) {
    %c0_i32 = arith.constant 0 : i32
    %c0_i32_0 = arith.constant 0 : i32
    %c0_i32_1 = arith.constant 0 : i32
    return %c0_i32, %c0_i32_0 : i32, i32
  }
  func.func @transform_8(%arg0: i32) -> (i32, i32) {
    %c0_i32 = arith.constant 0 : i32
    %c0_i32_0 = arith.constant 0 : i32
    return %arg0, %c0_i32 : i32, i32
  }
}

</mosaic_0001>

<sc_bundles>
// kernel: kernel.5.cloned.1.call-start
scs
__scs_entry_jumppad:
0x0: {  	(pc) =	sbr.rel $0x88, $3  }
0x1: {  	(tag) =	ssettag $0x0;
	lr =	simm.s32 $0x1  }
0x2: {  	[smem:$0x3F96] =	sst lr;
	_ =	strace $0xD0000000  }
0x3: {  	_ = 	snop  }
0x4: {  	_ = 	snop  }
0x5: {  	_ = 	snop  }
0x6: {  	_ = 	snop  }
0x7: {  	_ = 	snop  }
__scs_overlays_trampoline_lowered:
0x8: {  	[smem:$0x3FA5] =	sst s0  }
0x9: {  	[smem:$0x3FA6] =	sst s1  }
0xa: {  	[smem:$0x3FA7] =	sst s2  }
0xb: {  	[smem:$0x3FA8] =	sst s3  }
0xc: {  	[smem:$0x3FA9] =	sst s4  }
0xd: {  	[smem:$0x3FAA] =	sst s5  }
0xe: {  	[smem:$0x3FAB] =	sst s6  }
0xf: {  	[smem:$0x3FAC] =	sst s7  }
0x10: {  	[smem:$0x3FAD] =	sst s8  }
0x11: {  	[smem:$0x3FAE] =	sst s9;
	s0 =	simm.s32 @!p0 $0x0  }
0x12: {  	s1 =	sld [smem:$0x3F94];
	s0 =	simm.s32 @p0 $0x1  }
0x13: {  	[smem:$0x3FAF] =	sst s0;
	s0 =	simm.s32 @!p1 $0x0  }
0x14: {  	s2 =	sld [smem:$0x3F93];
	s0 =	simm.s32 @p1 $0x1  }
0x15: {  	[smem:$0x3FB0] =	sst s0;
	s0 =	simm.s32 @!p2 $0x0  }
0x16: {  	s3 =	sld [smem:$0x3FDB];
	s0 =	simm.s32 @p2 $0x1  }
0x17: {  	s4 =	simm.s32 $0x1BF5;
	[smem:$0x3FB2] =	sst s0  }
0x18: {  	s0 =	sld [smem:$0x3F95];
	_ =	swait.ge [sflag:s4], $0x0  }
0x19: {  	s7 =	sld [smem:$0x3F96]  }
0x1a: {  	s8 =	sadd.s32 $0xFFFFE003, lr  }
0x1b: {  	s9 =	sadd.s32 $0xFFFFFEF7, lr;
	s5 =	simm.s32 $0xFFFFFFFF;
	p2 =	slt.u32 s8, $0xFFFFF086  }
0x1c: {  	p1 =	slt.u32 s9, $0xF7A;
	s5 =	simm.s32 @!p2 $0x0  }
0x1d: {  	s5 =	simm.s32 @p1 $0x1;
	p0 =	seq.s32 s7, s2  }
0x1e: {  	s7 =	smul.u32 @!p0 $0xF7A, s2;
	p2 =	seq.s32 @!p0 s5, $0x0  }
0x1f: {  	s9 =	smul.u32 $0xF7A, s1;
	s8 =	simm.s32 @!p0 $0x1BF5;
	p2 =	por !p2, p0  }
0x20: {  	[sflag:s8] =	ssyncset.s32 @!p0 $0xFFFFF086;
	s6 =	sadd.s32 @!p0 s3, s7;
	s7 =	simm.s32 @!p0 $0x108  }
0x21: {  	s3 =	sadd.s32 s3, s9;
	s6 =	sadd.s32 @!p0 $0x88, s6;
	s7 =	simm.s32 @p2 $0x1082  }
0x22: {  	[simem:s7], [sflag:s8] =	dma.local @!p0 [hbm:s6], $0xF7A  }
0x23: {  	s9 =	sor.u32 $0xD0000000, s2;
	s6 =	simm.s32 $0x108;
	_ =	swait.ge @!p0 [sflag:s8], $0x0  }
0x24: {  	s3 =	sadd.s32 $0x88, s3;
	s6 =	simm.s32 @!p1 $0x1082;
	[sflag:s4] =	ssyncset.s32 $0xFFFFF086  }
0x25: {  	[simem:s6], [sflag:s4] =	dma.local [hbm:s3], $0xF7A  }
0x26: {  	[smem:$0x3F96] =	sst s1;
	(tag) =	ssettag s2;
	_ =	strace s9  }
0x27: {  	s1 =	sld [smem:$0x3FA6]  }
0x28: {  	s2 =	sld [smem:$0x3FA7]  }
0x29: {  	s4 =	sld [smem:$0x3FA9]  }
0x2a: {  	p0 =	seq.s32 s5, $0x0;
	s5 =	sld [smem:$0x3FAA]  }
0x2b: {  	s6 =	sld [smem:$0x3FAB]  }
0x2c: {  	s7 =	sld [smem:$0x3FAC]  }
0x2d: {  	s3 =	simm.s32 $0x108;
	s8 =	sld [smem:$0x3FAD]  }
0x2e: {  	s3 =	simm.s32 @!p0 $0x1082;
	s9 =	sld [smem:$0x3FAE]  }
0x2f: {  	lr =	sadd.s32 s0, s3;
	s0 =	sld [smem:$0x3FA5]  }
0x30: {  	s3 =	sld [smem:$0x3FA8]  }
0x31: {  	[smem:$0x3FB1] =	sst s10  }
0x32: {  	s10 =	sld [smem:$0x3FAF];
	_ =	sdelay $0x3  }
0x33: {  	p0 =	seq.s32 s10, $0x1;
	s10 =	sld [smem:$0x3FB1];
	_ =	sdelay $0x3  }
0x34: {  	[smem:$0x3FB1] =	sst s10  }
0x35: {  	s10 =	sld [smem:$0x3FB0];
	_ =	sdelay $0x3  }
0x36: {  	p1 =	seq.s32 s10, $0x1;
	s10 =	sld [smem:$0x3FB1];
	_ =	sdelay $0x3  }
0x37: {  	[smem:$0x3FB1] =	sst s10  }
0x38: {  	s10 =	sld [smem:$0x3FB2]  }
0x39: {  	_ = 	snop;
	(pc) =	sbr.ind lr, $3  }
0x3a: {  	_ = 	snop  }
0x3b: {  	_ = 	snop  }
0x3c: {  	p2 =	seq.s32 s10, $0x1;
	s10 =	sld [smem:$0x3FB1]  }
0x3d: {  	_ =	shalt  }
0x3e: {  	_ =	shalt  }
0x3f: {  	_ =	shalt  }
0x40: {  	_ =	shalt  }
0x41: {  	_ =	shalt  }
0x42: {  	_ =	shalt  }
0x43: {  	_ =	shalt  }
0x44: {  	_ =	shalt  }
0x45: {  	_ =	shalt  }
0x46: {  	_ =	shalt  }
0x47: {  	_ =	shalt  }
0x48: {  	_ =	shalt  }
0x49: {  	_ =	shalt  }
0x4a: {  	_ =	shalt  }
0x4b: {  	_ =	shalt  }
0x4c: {  	_ =	shalt  }
0x4d: {  	_ =	shalt  }
0x4e: {  	_ =	shalt  }
0x4f: {  	_ =	shalt  }
0x50: {  	_ =	shalt  }
0x51: {  	_ =	shalt  }
0x52: {  	_ =	shalt  }
0x53: {  	_ =	shalt  }
0x54: {  	_ =	shalt  }
0x55: {  	_ =	shalt  }
0x56: {  	_ =	shalt  }
0x57: {  	_ =	shalt  }
0x58: {  	_ =	shalt  }
0x59: {  	_ =	shalt  }
0x5a: {  	_ =	shalt  }
0x5b: {  	_ =	shalt  }
0x5c: {  	_ =	shalt  }
0x5d: {  	_ =	shalt  }
0x5e: {  	_ =	shalt  }
0x5f: {  	_ =	shalt  }
0x60: {  	_ =	shalt  }
0x61: {  	_ =	shalt  }
0x62: {  	_ =	shalt  }
0x63: {  	_ =	shalt  }
0x64: {  	_ =	shalt  }
0x65: {  	_ =	shalt  }
0x66: {  	_ =	shalt  }
0x67: {  	_ =	shalt  }
0x68: {  	_ =	shalt  }
0x69: {  	_ =	shalt  }
0x6a: {  	_ =	shalt  }
0x6b: {  	_ =	shalt  }
0x6c: {  	_ =	shalt  }
0x6d: {  	_ =	shalt  }
0x6e: {  	_ =	shalt  }
0x6f: {  	_ =	shalt  }
0x70: {  	_ =	shalt  }
0x71: {  	_ =	shalt  }
0x72: {  	_ =	shalt  }
0x73: {  	_ =	shalt  }
0x74: {  	_ =	shalt  }
0x75: {  	_ =	shalt  }
0x76: {  	_ =	shalt  }
0x77: {  	_ =	shalt  }
0x78: {  	_ =	shalt  }
0x79: {  	_ =	shalt  }
0x7a: {  	_ =	shalt  }
0x7b: {  	_ =	shalt  }
0x7c: {  	_ =	shalt  }
0x7d: {  	_ =	shalt  }
0x7e: {  	_ =	shalt  }
0x7f: {  	_ =	shalt  }
0x80: {  	_ =	shalt  }
0x81: {  	_ =	shalt  }
0x82: {  	_ =	shalt  }
0x83: {  	_ =	shalt  }
0x84: {  	_ =	shalt  }
0x85: {  	_ =	shalt  }
0x86: {  	_ =	shalt  }
0x87: {  	_ =	shalt  }
.Lfunc_end0:
.L_simem_size_0:
called_computation_lowered:
.L_overlay_start_0:
0x88: {  	s2 =	sld [smem:$0x3FD9]  }
0x89: {  	s3 =	sld [smem:$0x3FFE];
	_ =	sdelay $0x1  }
0x8a: {  	s1 =	srdreg.scid  }
0x8b: {  	s0 =	sand.u32 $0x1, s1  }
0x8c: {  	s17 =	sshll.u32 s0, $0xA;
	s2 =	sadd.s32 s3, s2  }
0x8d: {  	s2 =	sadd.s32 s2, s17  }
0x8e: {  	[smem:$0x3FBD] =	sst s2  }
0x8f: {  	_ = 	snop  }
0x90: {  	s2 =	sld [smem:$0x3FD0];
	(tm) =	ssettm $0x1  }
0x91: {  	s18 =	sld [smem:$0x3FFB];
	_ =	sdelay $0x3  }
0x92: {  	_ =	strace s18  }
0x93: {  	s3 =	sld [smem:$0x3FFC];
	_ =	sdelay $0x3  }
0x94: {  	_ =	strace s3  }
0x95: {  	s3 =	sld [smem:$0x3FFD];
	_ =	sdelay $0x3  }
0x96: {  	_ =	strace s3  }
0x97: {  	_ =	strace $0x8FFFFFFF  }
0x98: {  	s19 =	sld [smem:$0x3FDB];
	_ =	sdelay $0x1  }
0x99: {  	s4 =	simm.s32 $_scs_section_size  }
0x9a: {  	s5 =	simm.s32 $_size__tile_overlayer_lowered;
	s6 =	simm.s32 $_tile_overlayer_lowered  }
0x9b: {  	s22 =	simm.s32 $0x1BFF;
	s21 =	sshll.u32 s6, $0x1;
	s3 =	sadd.s32 s4, s19  }
0x9c: {  	s7 =	simm.s32 $0x0;
	s20 =	sshll.u32 s5, $0x1;
	s5 =	sadd.s32 s21, s3  }
0x9d: {  	[timem:s7], [sflag:s22] =	dma.local [hbm:s5], s20  }
0x9e: {  	_ =	swait.ge [sflag:s22], s20  }
0x9f: {  	s4 =	ssub.s32 $0x0, s20;
	[sflag:s22] =	ssyncset.done $0x0  }
0xa0: {  	[sflag:s22] =	ssyncadd.s32 s4;
	_ =	sdelay $0x1  }
0xa1: {  	s23 =	simm.s32 $0x1B8B  }
0xa2: {  	_ =	swait.ge [sflag:s23], $0x1  }
0xa3: {  	[sflag:s23] =	ssyncset.done $0x0  }
0xa4: {  	s25 =	simm.s32 $0x1B8E;
	s24 =	sld [smem:$0x3FFE];
	[sflag:s23] =	ssyncadd.s32 $0xFFFFFFFF  }
0xa5: {  	s26 =	simm.s32 $execute0_lowered;
	[smem:$0x3FD2] =	sst s25  }
0xa6: {  	s5 =	sshll.u32 s26, $0x1;
	_ =	strace $0x80000046;
	[dreg:$0x1] =	wrdreg $0xFFFFFFFF  }
0xa7: {  	s28 =	simm.s32 $_size_execute0_lowered;
	s3 =	sadd.s32 s3, s5;
	[dreg:$0x0] =	wrdreg $0x0  }
0xa8: {  	s5 =	sshll.u32 s28, $0x1;
	[dreg:$0x2] =	wrdreg s3  }
0xa9: {  	[dreg:$0x3] =	wrdreg s5  }
0xaa: {  	[dreg:$0x4] =	wrdreg $0xC0  }
0xab: {  	_ =	task [dreg:s7], $0x5FFFF  }
0xac: {  	[dreg:$0x1] =	wrdreg $0xFFFFFFFF  }
0xad: {  	[dreg:$0x0] =	wrdreg $0x60  }
0xae: {  	[dreg:$0x2] =	wrdreg s2  }
0xaf: {  	[dreg:$0x3] =	wrdreg s24  }
0xb0: {  	[dreg:$0x4] =	wrdreg $0x41000  }
0xb1: {  	[dreg:$0x5] =	wrdreg $0x9  }
0xb2: {  	_ =	task.clear_ibuf [dreg:s7], $0x6FFFF;
	_ =	strace $0x90000046  }
0xb3: {  	s29 =	simm.s32 $0x9;
	_ =	strace $0x80000048  }
0xb4: {  	_ =	swait.ge [sflag:s29], $0x1  }
0xb5: {  	[sflag:s29] =	ssyncadd.s32 $0xFFFFFFFF  }
0xb6: {  	_ =	strace $0x90000048  }
0xb7: {  	_ =	sfence  }
0xb8: {  	s30 =	sld [smem:$0x0];
	_ =	sdelay $0x2  }
0xb9: {  	s31 =	sshll.u32 s1, $0xD;
	s1 =	sshrl.u32 s1, $0x2  }
0xba: {  	s3 =	sand.u32 $0x4000, s31;
	s1 =	sadd.s32 s1, s30  }
0xbb: {  	s0 =	sor.u32 s3, s0;
	s1 =	sshll.u32 s1, $0x11  }
0xbc: {  	s0 =	sor.u32 s1, s0  }
0xbd: {  	s0 =	sadd.s32 $0x8F2B, s0  }
0xbe: {  	[sflag:s0] =	ssyncadd.remote.s32 $0x1  }
0xbf: {  	_ =	sfence.sel $0xFFFF  }
0xc0: {  	[dreg:$0x0] =	wrdreg $0xFFFFFFFF;
	(pc) =	sbr.abs _section_cstart, $3  }
0xc1: {  	[dreg:$0x1] =	wrdreg $0xFFFFFFFF  }
0xc2: {  	_ =	task.clear_ibuf [dreg:s7], $0x2FFFF;
	_ =	strace $0x9FFFFFFF  }
0xc3: {  	(tm) =	ssettm $0x7FFFFFFF  }
tec
execute0_lowered:
.L_overlay_start_1:
0x0: {  	(tag) =	ssettag $0x1  }
0x1: {  	s8 =	rddreg [dreg:$0x0]  }
0x2: {  	s5 =	rddreg [dreg:$0x1]  }
0x3: {  	s2 =	rddreg [dreg:$0x2]  }
0x4: {  	s0 =	rddreg [dreg:$0x3]  }
0x5: {  	s1 =	stileid.u32;
	s4 =	srdreg.scid  }
0x6: {  	s3 =	simm.s32 $0x0;
	s16 =	simm.s32 $0x0;
	s9 =	smul.u32 $0x9E0, s1  }
0x7: {  	s6 =	smul.u32 $0x13C00, s1;
	s7 =	sand.u32 $0x1, s4;
	[smem:$0x7FF] =	sst s3  }
0x8: {  	s4 =	sadd.s32 $0xB400, s5;
	s14 =	smul.u32 $0x4F000, s1;
	s29 =	sshll.u32 s1, $0x6  }
0x9: {  	s10 =	smul.u32 $0x13C000, s7;
	_ =	strace $0x80000047;
	s26 =	ssub.s32 $0x2, s7  }
0xa: {  	s30 =	smul.u32 $0x4F0, s7;
	s11 =	sadd.s32 s9, s5;
	s12 =	sshrl.u32 s6, $0x3  }
0xb: {  	s13 =	sshrl.u32 s26, $0x1;
	s28 =	sshrl.u32 s14, $0x2;
	s31 =	sadd.s32 s9, s8  }
0xc: {  	s6 =	sadd.s32 s6, s10;
	s12 =	sadd.s32 s12, s5;
	s10 =	ssub.s32 s26, s13  }
0xd: {  	s14 =	sadd.s32 s28, s2;
	s11 =	sadd.s32 s30, s11;
	s13 =	simm.s32 $0x80  }
0xe: {  	s6 =	sshrl.u32 s6, $0x3;
	s8 =	smax.u32 s10, $0x1;
	s9 =	sadd.s32 $0x1600, s11  }
0xf: {  	s10 =	sadd.s32 s30, s31;
	s11 =	sshrl.u32 s14, $0x3;
	s14 =	simm.s32 $0x100  }
0x10: {  	s15 =	sadd.s32 s6, s5;
	s5 =	sadd.s32 $0x143C00, s12;
	s6 =	sor.u32 $0x1C02, s29  }
0x11: {  	s12 =	simm.s32 $0x2;
	s7 =	sadd.s32 $0x16B400, s15;
	s15 =	simm.s32 $0x1  }
.LBB2_1:
0x12: {  	[spmem:s11], [sflag:s6] =	dma.local [hbm:s5], $0x2780  }
0x13: {  	_ =	swait.ge [sflag:s12], $0x2780  }
0x14: {  	[sflag:s12] =	ssyncset.done $0x0  }
0x15: {  	[sflag:s12] =	ssyncadd.s32 $0xFFFFD880  }
0x16: {  	s17 =	sadd.s32 $0x0, s10;
	[bflag:$0x0] =	sbarrier.arrive $0xFFFF  }
0x17: {  	[tilespmem:s3], [sflag:$0x2] =	stream.linear.gather [hbm4b:s17+s3], $0x80, $0x38;
	[tilespmem:$0x17D00] =	vst v63  }
0x18: {  	_ =	swait.ge [sflag:s12], $0x80  }
0x19: {  	[sflag:s12] =	ssyncset.done $0x0  }
0x1a: {  	s31 =	sadd.s32 $0x0, s9;
	[sflag:s12] =	ssyncadd.s32 $0xFFFFFF80  }
0x1b: {  	[tilespmem:s13], [sflag:$0x2] =	stream.linear.gather [hbm4b:s31+s3], $0x80, $0x38;
	[tilespmem:$0x17D00] =	vst v63  }
0x1c: {  	_ =	swait.ge [sflag:s12], $0x80  }
0x1d: {  	[sflag:s12] =	ssyncset.done $0x0  }
0x1e: {  	[sflag:s12] =	ssyncadd.s32 $0xFFFFFF80  }
0x1f: {  	[tilespmem:s14], [sflag:$0x1] =	stream.indirect.gather [hbm4b:s4+s13], $0x80, s3, s13, $0xb8;
	[tilespmem:$0x17D00] =	vst v63  }
0x20: {  	_ =	swait.ge [sflag:s15], $0x4000  }
0x21: {  	[sflag:s15] =	ssyncset.done $0x0  }
0x22: {  	[sflag:s15] =	ssyncadd.s32 $0xFFFFC000  }
0x23: {  	[spmem:s2] =	stream.indirect.scatter.add.f32 [tilespmem:s14], [sflag:$0x2], $0x80, s13, s13, $0xb8;
	[tilespmem:$0x17D00] =	vst v63  }
0x24: {  	_ =	swait.ge [sflag:s12], $0x4000  }
0x25: {  	s18 =	simm.s32 $0x20;
	s17 =	simm.s32 $0x10;
	[sflag:s12] =	ssyncset.done $0x0  }
.LBB2_2:
0x26: {  	s19 =	sadd.s32 s17, s10  }
0x27: {  	[sflag:s12] =	ssyncadd.s32 $0xFFFFC000;
	s20 =	smov.u32 s18;
	s21 =	sadd.s32 $0x10, s18  }
0x28: {  	[tilespmem:s3], [sflag:$0x2] =	stream.linear.gather [hbm4b:s19+s3], $0x80, $0x38;
	[tilespmem:$0x17D00] =	vst v63  }
0x29: {  	p0 =	sne.s32 s18, $0x4E0;
	_ =	swait.ge [sflag:s12], $0x80  }
0x2a: {  	[sflag:s12] =	ssyncset.done $0x0  }
0x2b: {  	s18 =	sadd.s32 s17, s9;
	s17 =	smov.u32 s20;
	[sflag:s12] =	ssyncadd.s32 $0xFFFFFF80  }
0x2c: {  	[tilespmem:s13], [sflag:$0x2] =	stream.linear.gather [hbm4b:s18+s3], $0x80, $0x38;
	[tilespmem:$0x17D00] =	vst v63  }
0x2d: {  	_ =	swait.ge [sflag:s12], $0x80  }
0x2e: {  	[sflag:s12] =	ssyncset.done $0x0  }
0x2f: {  	[sflag:s12] =	ssyncadd.s32 $0xFFFFFF80  }
0x30: {  	[tilespmem:s14], [sflag:$0x1] =	stream.indirect.gather [hbm4b:s4+s13], $0x80, s3, s13, $0xb8;
	[tilespmem:$0x17D00] =	vst v63  }
0x31: {  	_ =	swait.ge [sflag:s15], $0x4000  }
.Ltmp0:
0x32: {  	[sflag:s15] =	ssyncset.done $0x0;
	(pc) =	sbr.rel @p0 .LBB2_2-.Ltmp0, $4  }
0x33: {  	[sflag:s15] =	ssyncadd.s32 $0xFFFFC000  }
0x34: {  	[spmem:s2] =	stream.indirect.scatter.add.f32 [tilespmem:s14], [sflag:$0x2], $0x80, s13, s13, $0xb8;
	[tilespmem:$0x17D00] =	vst v63  }
0x35: {  	_ =	swait.ge [sflag:s12], $0x4000  }
0x36: {  	s18 =	smov.u32 s21;
	[sflag:s12] =	ssyncset.done $0x0  }
0x37: {  	s18 =	sadd.s32 s17, s10;
	[sflag:s12] =	ssyncadd.s32 $0xFFFFC000  }
0x38: {  	[tilespmem:s3], [sflag:$0x2] =	stream.linear.gather [hbm4b:s18+s3], $0x80, $0x38;
	[tilespmem:$0x17D00] =	vst v63  }
0x39: {  	_ =	swait.ge [sflag:s12], $0x80  }
0x3a: {  	[sflag:s12] =	ssyncset.done $0x0  }
0x3b: {  	s31 =	sadd.s32 s17, s9;
	[sflag:s12] =	ssyncadd.s32 $0xFFFFFF80  }
0x3c: {  	[tilespmem:s13], [sflag:$0x2] =	stream.linear.gather [hbm4b:s31+s3], $0x80, $0x38;
	[tilespmem:$0x17D00] =	vst v63  }
0x3d: {  	_ =	swait.ge [sflag:s12], $0x80  }
0x3e: {  	[sflag:s12] =	ssyncset.done $0x0  }
0x3f: {  	[sflag:s12] =	ssyncadd.s32 $0xFFFFFF80  }
0x40: {  	[tilespmem:s14], [sflag:$0x1] =	stream.indirect.gather [hbm4b:s4+s13], $0x80, s3, s13, $0xb8;
	[tilespmem:$0x17D00] =	vst v63  }
0x41: {  	_ =	swait.ge [sflag:s15], $0x4000  }
0x42: {  	[sflag:s15] =	ssyncset.done $0x0  }
0x43: {  	[sflag:s15] =	ssyncadd.s32 $0xFFFFC000  }
0x44: {  	[spmem:s2] =	stream.indirect.scatter.add.f32 [tilespmem:s14], [sflag:$0x2], $0x80, s13, s13, $0xb8;
	[tilespmem:$0x17D00] =	vst v63  }
0x45: {  	_ =	swait.ge [sflag:s12], $0x4000  }
0x46: {  	s16 =	sadd.s32 $0x1, s16;
	[sflag:s12] =	ssyncset.done $0x0  }
0x47: {  	p0 =	sne.s32 s16, s8;
	[sflag:s12] =	ssyncadd.s32 $0xFFFFC000  }
.Ltmp1:
0x48: {  	[bflag:$0x0] =	sbarrier.arrive $0xFFFF;
	(pc) =	sbr.rel @p0 .LBB2_1-.Ltmp1, $4  }
0x49: {  	[hbm:s7], [sflag:s6] =	dma.local [spmem:s11], $0x2780  }
0x4a: {  	_ =	swait.ge [sflag:s12], $0x2780  }
0x4b: {  	[sflag:s12] =	ssyncset.done $0x0  }
0x4c: {  	[sflag:s12] =	ssyncadd.s32 $0xFFFFD880  }
0x4d: {  	_ =	sfence.sel $0x180000  }
0x4e: {  	[bflag:$0x0] =	sbarrier.arrive $0xFFFF  }
0x4f: {  	p0 =	sne.s32 s1, $0x0;
	_ =	strace $0x90000047  }
0x50: {  	s0 =	sadd.s32 @!p0 $0x100000, s0;
	[bflag:$0x2] =	sbarrier.arrive $0xFFFF  }
0x51: {  	[sflag:s0] =	ssyncadd.tile.s32 @!p0 $0x1;
	_ =	shalt  }
.Lfunc_end2:
_tile_overlayer_lowered:
.L_overlay_start_2:
0x52: {  	(tag) =	ssettag $0x2  }
0x53: {  	s0 =	rddreg [dreg:$0x0];
	s2 =	stileid.u32  }
0x54: {  	s1 =	rddreg [dreg:$0x1];
	p0 =	sne.s32 s2, $0x0  }
0x55: {  	s3 =	rddreg [dreg:$0x2];
	[bflag:$0x3] =	sbarrier.arrive $0xFFFF;
	s2 =	simm.s32 @!p0 $0x1C02  }
0x56: {  	[timem:s3], [sflag:s2] =	dma.local @!p0 [hbm:s0], s1  }
0x57: {  	s0 =	simm.s32 @!p0 $0x2  }
0x58: {  	_ =	swait.ge @!p0 [sflag:s0], s1  }
0x59: {  	s1 =	ssub.s32 @!p0 $0x0, s1;
	[sflag:s0] =	ssyncset.done @!p0 $0x0  }
0x5a: {  	[sflag:s0] =	ssyncadd.s32 @!p0 s1  }
0x5b: {  	[bflag:$0x3] =	sbarrier.arrive $0xFFFF  }
0x5c: {  	_ =	shalt  }

</sc_bundles>
